<compile_context>
chip_gen: v7x
topology: tpu7x:2x2x1
jax: 0.10.2.dev20260603
libtpu: 0.0.44.dev20260713+nightly
codegen_flags: <defaults>
</compile_context>

<pallas_src>
import functools

import jax
import jax.numpy as jnp
from jax import lax
from jax.experimental import pallas as pl
from jax.experimental.pallas import tpu as pltpu
from jax.experimental.pallas import tpu_sc as plsc

_NC = 2
_NS = 16
_NT = _NC * _NS
_L = 16
_W = 64


def _splat_lane0(v):
    lane0 = lax.iota(jnp.int32, _L) == 0
    return jnp.sum(jnp.where(lane0, v, 0))


@functools.partial(jax.jit, static_argnames=("n_rows", "n_upd"))
def _scatter_overwrite(x, idx, upd, *, n_rows, n_upd):
    rows_main = (-(-n_rows // _NT) + 15) // 16 * 16
    rows_last = n_rows - (_NT - 1) * rows_main
    assert 0 < rows_last <= rows_main and n_rows % 8 == 0
    row_w = x.shape[1]
    n_chunks = n_upd // _L
    n_rchunks = rows_main // _L

    mesh = plsc.VectorSubcoreMesh(core_axis_name="c", subcore_axis_name="s")

    def stateful(refs):
        x_ref, idx_ref, upd_ref = refs

        @pl.core_map(
            mesh,
            compiler_params=pltpu.CompilerParams(needs_layout_passes=False),
            scratch_shapes=[
                pltpu.VMEM((n_upd,), jnp.int32),
                pltpu.VMEM((rows_main,), jnp.int32),
                pltpu.VMEM((_W + rows_main,), jnp.int32),
                pltpu.VMEM((_W + rows_main,), jnp.int32),
                pltpu.VMEM((_W,), jnp.int32),
                pltpu.VMEM((_W,), jnp.int32),
                pltpu.VMEM((_W, row_w), jnp.float32),
                pltpu.SemaphoreType.DMA,
                pltpu.SemaphoreType.DMA,
            ],
        )
        def _(idx_v, claim, tgt_list, pos_list, tgt_buf, pos_buf, upd_stage,
              gsem, ssem):
            wid = lax.axis_index("s") * _NC + lax.axis_index("c")
            lo = wid * rows_main
            hi = jnp.where(wid == _NT - 1, jnp.int32(n_rows), lo + rows_main)

            pltpu.sync_copy(idx_ref, idx_v)

            neg1 = jnp.full((_L,), -1, jnp.int32)

            def init(k, _):
                claim[pl.ds(k * _L, _L)] = neg1
                return 0

            lax.fori_loop(0, n_rchunks, init, 0)

            def p1(i, _):
                v = idx_v[pl.ds(i * _L, _L)]
                m = (v >= lo) & (v < hi)
                local = v - lo
                p = i * _L + lax.iota(jnp.int32, _L)
                _, lastm = plsc.scan_count(local, mask=m)
                plsc.store_scatter(claim, [local], p, mask=lastm)
                return 0

            lax.fori_loop(0, n_chunks, p1, 0)

            def emit(k, off):
                c = claim[pl.ds(k * _L, _L)]
                m = c >= 0
                cnt = jnp.sum(m.astype(jnp.int32))
                tgt = lo + k * _L + lax.iota(jnp.int32, _L)
                plsc.store_compressed(tgt_list.at[pl.ds(off, _L)], tgt,
                                      mask=m)
                plsc.store_compressed(pos_list.at[pl.ds(off, _L)], c, mask=m)
                return off + cnt

            end = lax.fori_loop(0, n_rchunks, emit, jnp.int32(_W))
            count = end - _W

            @pl.when(count > 0)
            def _():
                ft = _splat_lane0(tgt_list[pl.ds(_W, _L)])
                fp = _splat_lane0(pos_list[pl.ds(_W, _L)])
                for k in range(_W // _L):
                    tgt_list[pl.ds(k * _L, _L)] = jnp.full((_L,), ft,
                                                           jnp.int32)
                    pos_list[pl.ds(k * _L, _L)] = jnp.full((_L,), fp,
                                                           jnp.int32)

                nwin = (count + _W - 1) // _W

                def win(j, _):
                    st = end - (nwin - j) * _W
                    for k in range(_W // _L):
                        tgt_buf[pl.ds(k * _L, _L)] = (
                            tgt_list[pl.ds(st + k * _L, _L)])
                        pos_buf[pl.ds(k * _L, _L)] = (
                            pos_list[pl.ds(st + k * _L, _L)])
                    g = pltpu.make_async_copy(
                        upd_ref.at[pos_buf], upd_stage, gsem)
                    g.start()
                    g.wait()
                    s = pltpu.make_async_copy(
                        upd_stage, x_ref.at[tgt_buf], ssem)
                    s.start()
                    s.wait()
                    return 0

                lax.fori_loop(0, nwin, win, 0)

    x_fin, _, _ = pl.run_state(stateful)((x, idx, upd))
    return x_fin


def kernel(input, indices, update):
    n_rows = input.shape[0]
    n_upd = indices.shape[0]
    row_w = input.shape[1] * input.shape[2]
    x = input.reshape(n_rows, row_w)
    u = update.reshape(n_upd, row_w)
    idx = indices.astype(jnp.int32)
    out = _scatter_overwrite(x, idx, u, n_rows=n_rows, n_upd=n_upd)
    return out.reshape(input.shape)

# --- scband reference (transcript-rebuilt; emitter-appended) ---
"""Pipeline reference for scband-model-new-17411797418166 (READ-ONLY COPY).

The authoritative reference and input builder live on the scoring server;
editing this copy changes nothing except your own understanding.
"""

import jax, jax.numpy as jnp
import numpy as np


def setup_inputs(seed: int = 0) -> dict:
    key = jax.random.key(seed)
    k1, k2, k3 = jax.random.split(key, 3)
    input = jax.random.normal(k1, (100000, 4, 64), dtype=jnp.float32)
    indices = jax.random.randint(k2, (16384,), 0, 100000, dtype=jnp.int64)
    update = jax.random.normal(k3, (16384, 4, 64), dtype=jnp.float32)
    return {"input": input, "indices": indices, "update": update}


def reference(input, indices, update):
    # scatter block overwrite: output = input.clone(); output[indices] = update
    output = input.at[indices].set(update)
    return output

if __name__ == "__main__":
    import jax
    _d = setup_inputs()
    print(jax.jit(kernel)(*tuple(_d.values())))

</pallas_src>

<mosaic_0001>
#map = affine_map<(d0, d1) -> (0)>
#map1 = affine_map<(d0, d1) -> (0, 0)>
module attributes {stable_mosaic.version = 14 : i64} {
  func.func @_(%arg0: i32, %arg1: i32, %arg2: memref<16384xi32, #tpu.memory_space<hbm>>, %arg3: memref<16384x256xf32, #tpu.memory_space<hbm>>, %arg4: memref<100000x256xf32, #tpu.memory_space<hbm>>, %arg5: memref<100000x256xf32, #tpu.memory_space<hbm>>, %arg6: memref<16384xi32, #tpu.memory_space<vmem>>, %arg7: memref<3136xi32, #tpu.memory_space<vmem>>, %arg8: memref<3200xi32, #tpu.memory_space<vmem>>, %arg9: memref<3200xi32, #tpu.memory_space<vmem>>, %arg10: memref<64xi32, #tpu.memory_space<vmem>>, %arg11: memref<64xi32, #tpu.memory_space<vmem>>, %arg12: memref<64x256xf32, #tpu.memory_space<vmem>>, %arg13: memref<!tpu.dma_semaphore, #tpu.memory_space<semaphore_mem>>, %arg14: memref<!tpu.dma_semaphore, #tpu.memory_space<semaphore_mem>>) attributes {dimension_semantics = [#tpu.dimension_semantics<core_parallel>, #tpu.dimension_semantics<subcore_parallel>], iteration_bounds = array<i64: 2, 16>, scalar_prefetch = 0 : i64, scratch_operands = 9 : i64, tpu.core_type = #tpu.core_type<sc_vector_subcore>, window_params = [{transform_indices = #map}, {transform_indices = #map1}, {transform_indices = #map1}, {transform_indices = #map1}]} {
    %mul3A = arith.constant 2 : i32
    %mul3A_0 = arith.muli %arg1, %mul3A : i32
    %add3A = arith.addi %mul3A_0, %arg0 : i32
    %mul3A_1 = arith.constant 3136 : i32
    %mul3A_2 = arith.muli %add3A, %mul3A_1 : i32
    %eq3A = arith.constant 31 : i32
    %eq3A_3 = arith.cmpi eq, %add3A, %eq3A : i32
    %add3A_4 = arith.constant 3136 : i32
    %add3A_5 = arith.addi %mul3A_2, %add3A_4 : i32
    %jit3A = arith.constant 100000 : i32
    %select_n3A = arith.select %eq3A_3, %jit3A, %add3A_5 : i32
    "tpu.region"() ({
      %run_scoped3A = tpu.sem_alloc : memref<!tpu.dma_semaphore, #tpu.memory_space<semaphore_mem>>
      tpu.enqueue_dma source(%arg2 : memref<16384xi32, #tpu.memory_space<hbm>>) target(%arg6 : memref<16384xi32, #tpu.memory_space<vmem>>) target_semaphore(%run_scoped3A : memref<!tpu.dma_semaphore, #tpu.memory_space<semaphore_mem>>)
      tpu.wait_dma2 semaphore(%run_scoped3A : memref<!tpu.dma_semaphore, #tpu.memory_space<semaphore_mem>>) src(%arg2 : memref<16384xi32, #tpu.memory_space<hbm>>) dst(%arg6 : memref<16384xi32, #tpu.memory_space<vmem>>)
      tpu.yield
    }) : () -> ()
    %broadcast_in_dim3A = arith.constant -1 : i32
    %broadcast_in_dim3A_6 = vector.broadcast %broadcast_in_dim3A : i32 to vector<16xi32>
    %scan3A = arith.constant 0 : i32
    %scan3A_7 = arith.constant 0 : i32
    %scan3A_8 = arith.constant 196 : i32
    %scan3A_9 = arith.addi %scan3A_7, %scan3A_8 : i32
    %scan3A_10 = arith.constant 1 : i32
    %scan3A_11 = scf.for %scan3A_30 = %scan3A_7 to %scan3A_9 step %scan3A_10 iter_args(%scan3A_31 = %scan3A) -> (i32)  : i32 {
      %mul3A_32 = arith.constant 16 : i32
      %mul3A_33 = arith.muli %scan3A_30, %mul3A_32 : i32
      %swap3A = arith.index_cast %mul3A_33 : i32 to index
      %swap3A_34 = tpu.vector_load %arg7[%swap3A] {strides = array<i32>} : memref<3136xi32, #tpu.memory_space<vmem>>, vector<16xi32>,
      tpu.vector_store %arg7[%swap3A], %broadcast_in_dim3A_6 {strides = array<i32>} : memref<3136xi32, #tpu.memory_space<vmem>>, vector<16xi32>,
      %scan3A_35 = arith.constant 0 : i32
      scf.yield %scan3A_35 : i32
    }
    %scan3A_12 = arith.constant 196 : i32
    %scan3A_13 = arith.constant 0 : i32
    %scan3A_14 = arith.constant 0 : i32
    %scan3A_15 = arith.constant 1024 : i32
    %scan3A_16 = arith.addi %scan3A_14, %scan3A_15 : i32
    %scan3A_17 = arith.constant 1 : i32
    %scan3A_18 = scf.for %scan3A_30 = %scan3A_14 to %scan3A_16 step %scan3A_17 iter_args(%scan3A_31 = %scan3A_13) -> (i32)  : i32 {
      %mul3A_32 = arith.constant 16 : i32
      %mul3A_33 = arith.muli %scan3A_30, %mul3A_32 : i32
      %get3A = arith.index_cast %mul3A_33 : i32 to index
      %get3A_34 = tpu.vector_load %arg6[%get3A] {strides = array<i32>} : memref<16384xi32, #tpu.memory_space<vmem>>, vector<16xi32>,
      %ge3A = vector.broadcast %mul3A_2 : i32 to vector<16xi32>
      %ge3A_35 = arith.cmpi sge, %get3A_34, %ge3A : vector<16xi32>
      %lt3A = vector.broadcast %select_n3A : i32 to vector<16xi32>
      %lt3A_36 = arith.cmpi slt, %get3A_34, %lt3A : vector<16xi32>
      %and3A = arith.andi %ge3A_35, %lt3A_36 : vector<16xi1>
      %sub3A_37 = vector.broadcast %mul3A_2 : i32 to vector<16xi32>
      %sub3A_38 = arith.subi %get3A_34, %sub3A_37 : vector<16xi32>
      %mul3A_39 = arith.constant 16 : i32
      %mul3A_40 = arith.muli %scan3A_30, %mul3A_39 : i32
      %iota3A = tpu.iota {dimensions = array<i32: 0>} : vector<16xi32>
      %add3A_41 = vector.broadcast %mul3A_40 : i32 to vector<16xi32>
      %add3A_42 = arith.addi %add3A_41, %iota3A : vector<16xi32>
      %unique3A, %unique3A_43 = tpu.scan_count mask(%and3A : vector<16xi1>) value(%sub3A_38 : vector<16xi32>) : vector<16xi1>, vector<16xi32>
      tpu.vector_store_idx %arg7[%sub3A_38], %add3A_42 masked %unique3A : memref<3136xi32, #tpu.memory_space<vmem>>[vector<16xi32>], vector<16xi32>, vector<16xi1>
      %scan3A_44 = arith.constant 0 : i32
      scf.yield %scan3A_44 : i32
    }
    %scan3A_19 = arith.constant 1024 : i32
    %scan3A_20 = arith.constant 64 : i32
    %scan3A_21 = arith.constant 0 : i32
    %scan3A_22 = arith.constant 196 : i32
    %scan3A_23 = arith.addi %scan3A_21, %scan3A_22 : i32
    %scan3A_24 = arith.constant 1 : i32
    %scan3A_25 = scf.for %scan3A_30 = %scan3A_21 to %scan3A_23 step %scan3A_24 iter_args(%scan3A_31 = %scan3A_20) -> (i32)  : i32 {
      %mul3A_32 = arith.constant 16 : i32
      %mul3A_33 = arith.muli %scan3A_30, %mul3A_32 : i32
      %get3A = arith.index_cast %mul3A_33 : i32 to index
      %get3A_34 = tpu.vector_load %arg7[%get3A] {strides = array<i32>} : memref<3136xi32, #tpu.memory_space<vmem>>, vector<16xi32>,
      %ge3A = arith.constant 0 : i32
      %ge3A_35 = vector.broadcast %ge3A : i32 to vector<16xi32>
      %ge3A_36 = arith.cmpi sge, %get3A_34, %ge3A_35 : vector<16xi32>
      %convert_element_type3A_37 = arith.extui %ge3A_36 : vector<16xi1> to vector<16xi32>
      %reduce_sum3A = arith.constant true
      %reduce_sum3A_38 = vector.broadcast %reduce_sum3A : i1 to vector<16xi1>
      %reduce_sum3A_39 = tpu.scan <sum>, %convert_element_type3A_37 masked %reduce_sum3A_38 : vector<16xi32>, vector<16xi1> -> vector<16xi32>
      %reduce_sum3A_40 = vector.extract %reduce_sum3A_39[15] : i32 from vector<16xi32>
      %mul3A_41 = arith.constant 16 : i32
      %mul3A_42 = arith.muli %scan3A_30, %mul3A_41 : i32
      %add3A_43 = arith.addi %mul3A_2, %mul3A_42 : i32
      %iota3A = tpu.iota {dimensions = array<i32: 0>} : vector<16xi32>
      %add3A_44 = vector.broadcast %add3A_43 : i32 to vector<16xi32>
      %add3A_45 = arith.addi %add3A_44, %iota3A : vector<16xi32>
      %swap3A = arith.index_cast %scan3A_31 : i32 to index
      %swap3A_46 = tpu.vector_load %arg8[%swap3A] masked %ge3A_36 {strides = array<i32>} : memref<3200xi32, #tpu.memory_space<vmem>>, vector<16xi32>, vector<16xi1>
      tpu.vector_store %arg8[%swap3A], %add3A_45 masked %ge3A_36 {strides = array<i32>} : memref<3200xi32, #tpu.memory_space<vmem>>, vector<16xi32>, vector<16xi1>
      %swap3A_47 = arith.index_cast %scan3A_31 : i32 to index
      %swap3A_48 = tpu.vector_load %arg9[%swap3A_47] masked %ge3A_36 {strides = array<i32>} : memref<3200xi32, #tpu.memory_space<vmem>>, vector<16xi32>, vector<16xi1>
      tpu.vector_store %arg9[%swap3A_47], %get3A_34 masked %ge3A_36 {strides = array<i32>} : memref<3200xi32, #tpu.memory_space<vmem>>, vector<16xi32>, vector<16xi1>
      %add3A_49 = arith.addi %scan3A_31, %reduce_sum3A_40 : i32
      scf.yield %add3A_49 : i32
    }
    %scan3A_26 = arith.constant 196 : i32
    %sub3A = arith.constant 64 : i32
    %sub3A_27 = arith.subi %scan3A_25, %sub3A : i32
    %gt3A = arith.constant 0 : i32
    %gt3A_28 = arith.cmpi sgt, %sub3A_27, %gt3A : i32
    %convert_element_type3A = arith.extui %gt3A_28 : i1 to i32
    %cond3A = arith.constant 0 : i32
    %cond3A_29 = arith.cmpi ne, %convert_element_type3A, %cond3A : i32
    scf.if %cond3A_29 {
      %get3A = arith.constant 64 : index
      %get3A_30 = tpu.vector_load %arg8[%get3A] {strides = array<i32>} : memref<3200xi32, #tpu.memory_space<vmem>>, vector<16xi32>,
      %iota3A = tpu.iota {dimensions = array<i32: 0>} : vector<16xi32>
      %eq3A_31 = arith.constant 0 : i32
      %eq3A_32 = vector.broadcast %eq3A_31 : i32 to vector<16xi32>
      %eq3A_33 = arith.cmpi eq, %iota3A, %eq3A_32 : vector<16xi32>
      %jit3A_34 = arith.constant 0 : i32
      %broadcast_in_dim3A_35 = vector.broadcast %jit3A_34 : i32 to vector<16xi32>
      %select_n3A_36 = arith.select %eq3A_33, %get3A_30, %broadcast_in_dim3A_35 : vector<16xi1>, vector<16xi32>
      %reduce_sum3A = arith.constant true
      %reduce_sum3A_37 = vector.broadcast %reduce_sum3A : i1 to vector<16xi1>
      %reduce_sum3A_38 = tpu.scan <sum>, %select_n3A_36 masked %reduce_sum3A_37 : vector<16xi32>, vector<16xi1> -> vector<16xi32>
      %reduce_sum3A_39 = vector.extract %reduce_sum3A_38[15] : i32 from vector<16xi32>
      %get3A_40 = arith.constant 64 : index
      %get3A_41 = tpu.vector_load %arg9[%get3A_40] {strides = array<i32>} : memref<3200xi32, #tpu.memory_space<vmem>>, vector<16xi32>,
      %iota3A_42 = tpu.iota {dimensions = array<i32: 0>} : vector<16xi32>
      %eq3A_43 = arith.constant 0 : i32
      %eq3A_44 = vector.broadcast %eq3A_43 : i32 to vector<16xi32>
      %eq3A_45 = arith.cmpi eq, %iota3A_42, %eq3A_44 : vector<16xi32>
      %jit3A_46 = arith.constant 0 : i32
      %broadcast_in_dim3A_47 = vector.broadcast %jit3A_46 : i32 to vector<16xi32>
      %select_n3A_48 = arith.select %eq3A_45, %get3A_41, %broadcast_in_dim3A_47 : vector<16xi1>, vector<16xi32>
      %reduce_sum3A_49 = arith.constant true
      %reduce_sum3A_50 = vector.broadcast %reduce_sum3A_49 : i1 to vector<16xi1>
      %reduce_sum3A_51 = tpu.scan <sum>, %select_n3A_48 masked %reduce_sum3A_50 : vector<16xi32>, vector<16xi1> -> vector<16xi32>
      %reduce_sum3A_52 = vector.extract %reduce_sum3A_51[15] : i32 from vector<16xi32>
      %broadcast_in_dim3A_53 = vector.broadcast %reduce_sum3A_39 : i32 to vector<16xi32>
      %swap3A = arith.constant 0 : index
      %swap3A_54 = tpu.vector_load %arg8[%swap3A] {strides = array<i32>} : memref<3200xi32, #tpu.memory_space<vmem>>, vector<16xi32>,
      tpu.vector_store %arg8[%swap3A], %broadcast_in_dim3A_53 {strides = array<i32>} : memref<3200xi32, #tpu.memory_space<vmem>>, vector<16xi32>,
      %broadcast_in_dim3A_55 = vector.broadcast %reduce_sum3A_52 : i32 to vector<16xi32>
      %swap3A_56 = arith.constant 0 : index
      %swap3A_57 = tpu.vector_load %arg9[%swap3A_56] {strides = array<i32>} : memref<3200xi32, #tpu.memory_space<vmem>>, vector<16xi32>,
      tpu.vector_store %arg9[%swap3A_56], %broadcast_in_dim3A_55 {strides = array<i32>} : memref<3200xi32, #tpu.memory_space<vmem>>, vector<16xi32>,
      %broadcast_in_dim3A_58 = vector.broadcast %reduce_sum3A_39 : i32 to vector<16xi32>
      %swap3A_59 = arith.constant 16 : index
      %swap3A_60 = tpu.vector_load %arg8[%swap3A_59] {strides = array<i32>} : memref<3200xi32, #tpu.memory_space<vmem>>, vector<16xi32>,
      tpu.vector_store %arg8[%swap3A_59], %broadcast_in_dim3A_58 {strides = array<i32>} : memref<3200xi32, #tpu.memory_space<vmem>>, vector<16xi32>,
      %broadcast_in_dim3A_61 = vector.broadcast %reduce_sum3A_52 : i32 to vector<16xi32>
      %swap3A_62 = arith.constant 16 : index
      %swap3A_63 = tpu.vector_load %arg9[%swap3A_62] {strides = array<i32>} : memref<3200xi32, #tpu.memory_space<vmem>>, vector<16xi32>,
      tpu.vector_store %arg9[%swap3A_62], %broadcast_in_dim3A_61 {strides = array<i32>} : memref<3200xi32, #tpu.memory_space<vmem>>, vector<16xi32>,
      %broadcast_in_dim3A_64 = vector.broadcast %reduce_sum3A_39 : i32 to vector<16xi32>
      %swap3A_65 = arith.constant 32 : index
      %swap3A_66 = tpu.vector_load %arg8[%swap3A_65] {strides = array<i32>} : memref<3200xi32, #tpu.memory_space<vmem>>, vector<16xi32>,
      tpu.vector_store %arg8[%swap3A_65], %broadcast_in_dim3A_64 {strides = array<i32>} : memref<3200xi32, #tpu.memory_space<vmem>>, vector<16xi32>,
      %broadcast_in_dim3A_67 = vector.broadcast %reduce_sum3A_52 : i32 to vector<16xi32>
      %swap3A_68 = arith.constant 32 : index
      %swap3A_69 = tpu.vector_load %arg9[%swap3A_68] {strides = array<i32>} : memref<3200xi32, #tpu.memory_space<vmem>>, vector<16xi32>,
      tpu.vector_store %arg9[%swap3A_68], %broadcast_in_dim3A_67 {strides = array<i32>} : memref<3200xi32, #tpu.memory_space<vmem>>, vector<16xi32>,
      %broadcast_in_dim3A_70 = vector.broadcast %reduce_sum3A_39 : i32 to vector<16xi32>
      %swap3A_71 = arith.constant 48 : index
      %swap3A_72 = tpu.vector_load %arg8[%swap3A_71] {strides = array<i32>} : memref<3200xi32, #tpu.memory_space<vmem>>, vector<16xi32>,
      tpu.vector_store %arg8[%swap3A_71], %broadcast_in_dim3A_70 {strides = array<i32>} : memref<3200xi32, #tpu.memory_space<vmem>>, vector<16xi32>,
      %broadcast_in_dim3A_73 = vector.broadcast %reduce_sum3A_52 : i32 to vector<16xi32>
      %swap3A_74 = arith.constant 48 : index
      %swap3A_75 = tpu.vector_load %arg9[%swap3A_74] {strides = array<i32>} : memref<3200xi32, #tpu.memory_space<vmem>>, vector<16xi32>,
      tpu.vector_store %arg9[%swap3A_74], %broadcast_in_dim3A_73 {strides = array<i32>} : memref<3200xi32, #tpu.memory_space<vmem>>, vector<16xi32>,
      %add3A_76 = arith.constant 64 : i32
      %add3A_77 = arith.addi %sub3A_27, %add3A_76 : i32
      %sub3A_78 = arith.constant 1 : i32
      %sub3A_79 = arith.subi %add3A_77, %sub3A_78 : i32
      %jit3A_80 = arith.constant 64 : i32
      %div3A = arith.divsi %sub3A_79, %jit3A_80 : i32
      %sign3A = arith.constant 0 : i32
      %sign3A_81 = arith.cmpi sgt, %sub3A_79, %sign3A : i32
      %sign3A_82 = arith.extui %sign3A_81 : i1 to i32
      %sign3A_83 = arith.constant 0 : i32
      %sign3A_84 = arith.cmpi slt, %sub3A_79, %sign3A_83 : i32
      %sign3A_85 = arith.extui %sign3A_84 : i1 to i32
      %sign3A_86 = arith.subi %sign3A_82, %sign3A_85 : i32
      %sign3A_87 = arith.constant 0 : i32
      %sign3A_88 = arith.cmpi sgt, %jit3A_80, %sign3A_87 : i32
      %sign3A_89 = arith.extui %sign3A_88 : i1 to i32
      %sign3A_90 = arith.constant 0 : i32
      %sign3A_91 = arith.cmpi slt, %jit3A_80, %sign3A_90 : i32
      %sign3A_92 = arith.extui %sign3A_91 : i1 to i32
      %sign3A_93 = arith.subi %sign3A_89, %sign3A_92 : i32
      %ne3A = arith.cmpi ne, %sign3A_86, %sign3A_93 : i32
      %rem3A = arith.remsi %sub3A_79, %jit3A_80 : i32
      %ne3A_94 = arith.constant 0 : i32
      %ne3A_95 = arith.cmpi ne, %rem3A, %ne3A_94 : i32
      %and3A = arith.andi %ne3A, %ne3A_95 : i1
      %sub3A_96 = arith.constant 1 : i32
      %sub3A_97 = arith.subi %div3A, %sub3A_96 : i32
      %select_n3A_98 = arith.select %and3A, %sub3A_97, %div3A : i32
      %while3A = arith.constant 0 : i32
      %while3A_99 = arith.constant 0 : i32
      %while3A_100 = arith.subi %select_n3A_98, %while3A : i32
      %while3A_101 = arith.addi %while3A, %while3A_100 : i32
      %while3A_102 = arith.constant 1 : i32
      %while3A_103 = arith.divsi %while3A_100, %while3A_102 : i32
      %while3A_104 = arith.muli %while3A_103, %while3A_102 : i32
      %while3A_105 = arith.addi %while3A, %while3A_104 : i32
      %while3A_106 = arith.constant 1 : i32
      %while3A_107 = scf.for %while3A_110 = %while3A to %while3A_105 step %while3A_106 iter_args(%while3A_111 = %while3A_99) -> (i32)  : i32 {
        %sub3A_112 = arith.subi %select_n3A_98, %while3A_110 : i32
        %mul3A_113 = arith.constant 64 : i32
        %mul3A_114 = arith.muli %sub3A_112, %mul3A_113 : i32
        %sub3A_115 = arith.subi %scan3A_25, %mul3A_114 : i32
        %add3A_116 = arith.constant 0 : i32
        %add3A_117 = arith.addi %sub3A_115, %add3A_116 : i32
        %get3A_118 = arith.index_cast %add3A_117 : i32 to index
        %get3A_119 = tpu.vector_load %arg8[%get3A_118] {strides = array<i32>} : memref<3200xi32, #tpu.memory_space<vmem>>, vector<16xi32>,
        %swap3A_120 = arith.constant 0 : index
        %swap3A_121 = tpu.vector_load %arg10[%swap3A_120] {strides = array<i32>} : memref<64xi32, #tpu.memory_space<vmem>>, vector<16xi32>,
        tpu.vector_store %arg10[%swap3A_120], %get3A_119 {strides = array<i32>} : memref<64xi32, #tpu.memory_space<vmem>>, vector<16xi32>,
        %add3A_122 = arith.constant 0 : i32
        %add3A_123 = arith.addi %sub3A_115, %add3A_122 : i32
        %get3A_124 = arith.index_cast %add3A_123 : i32 to index
        %get3A_125 = tpu.vector_load %arg9[%get3A_124] {strides = array<i32>} : memref<3200xi32, #tpu.memory_space<vmem>>, vector<16xi32>,
        %swap3A_126 = arith.constant 0 : index
        %swap3A_127 = tpu.vector_load %arg11[%swap3A_126] {strides = array<i32>} : memref<64xi32, #tpu.memory_space<vmem>>, vector<16xi32>,
        tpu.vector_store %arg11[%swap3A_126], %get3A_125 {strides = array<i32>} : memref<64xi32, #tpu.memory_space<vmem>>, vector<16xi32>,
        %add3A_128 = arith.constant 16 : i32
        %add3A_129 = arith.addi %sub3A_115, %add3A_128 : i32
        %get3A_130 = arith.index_cast %add3A_129 : i32 to index
        %get3A_131 = tpu.vector_load %arg8[%get3A_130] {strides = array<i32>} : memref<3200xi32, #tpu.memory_space<vmem>>, vector<16xi32>,
        %swap3A_132 = arith.constant 16 : index
        %swap3A_133 = tpu.vector_load %arg10[%swap3A_132] {strides = array<i32>} : memref<64xi32, #tpu.memory_space<vmem>>, vector<16xi32>,
        tpu.vector_store %arg10[%swap3A_132], %get3A_131 {strides = array<i32>} : memref<64xi32, #tpu.memory_space<vmem>>, vector<16xi32>,
        %add3A_134 = arith.constant 16 : i32
        %add3A_135 = arith.addi %sub3A_115, %add3A_134 : i32
        %get3A_136 = arith.index_cast %add3A_135 : i32 to index
        %get3A_137 = tpu.vector_load %arg9[%get3A_136] {strides = array<i32>} : memref<3200xi32, #tpu.memory_space<vmem>>, vector<16xi32>,
        %swap3A_138 = arith.constant 16 : index
        %swap3A_139 = tpu.vector_load %arg11[%swap3A_138] {strides = array<i32>} : memref<64xi32, #tpu.memory_space<vmem>>, vector<16xi32>,
        tpu.vector_store %arg11[%swap3A_138], %get3A_137 {strides = array<i32>} : memref<64xi32, #tpu.memory_space<vmem>>, vector<16xi32>,
        %add3A_140 = arith.constant 32 : i32
        %add3A_141 = arith.addi %sub3A_115, %add3A_140 : i32
        %get3A_142 = arith.index_cast %add3A_141 : i32 to index
        %get3A_143 = tpu.vector_load %arg8[%get3A_142] {strides = array<i32>} : memref<3200xi32, #tpu.memory_space<vmem>>, vector<16xi32>,
        %swap3A_144 = arith.constant 32 : index
        %swap3A_145 = tpu.vector_load %arg10[%swap3A_144] {strides = array<i32>} : memref<64xi32, #tpu.memory_space<vmem>>, vector<16xi32>,
        tpu.vector_store %arg10[%swap3A_144], %get3A_143 {strides = array<i32>} : memref<64xi32, #tpu.memory_space<vmem>>, vector<16xi32>,
        %add3A_146 = arith.constant 32 : i32
        %add3A_147 = arith.addi %sub3A_115, %add3A_146 : i32
        %get3A_148 = arith.index_cast %add3A_147 : i32 to index
        %get3A_149 = tpu.vector_load %arg9[%get3A_148] {strides = array<i32>} : memref<3200xi32, #tpu.memory_space<vmem>>, vector<16xi32>,
        %swap3A_150 = arith.constant 32 : index
        %swap3A_151 = tpu.vector_load %arg11[%swap3A_150] {strides = array<i32>} : memref<64xi32, #tpu.memory_space<vmem>>, vector<16xi32>,
        tpu.vector_store %arg11[%swap3A_150], %get3A_149 {strides = array<i32>} : memref<64xi32, #tpu.memory_space<vmem>>, vector<16xi32>,
        %add3A_152 = arith.constant 48 : i32
        %add3A_153 = arith.addi %sub3A_115, %add3A_152 : i32
        %get3A_154 = arith.index_cast %add3A_153 : i32 to index
        %get3A_155 = tpu.vector_load %arg8[%get3A_154] {strides = array<i32>} : memref<3200xi32, #tpu.memory_space<vmem>>, vector<16xi32>,
        %swap3A_156 = arith.constant 48 : index
        %swap3A_157 = tpu.vector_load %arg10[%swap3A_156] {strides = array<i32>} : memref<64xi32, #tpu.memory_space<vmem>>, vector<16xi32>,
        tpu.vector_store %arg10[%swap3A_156], %get3A_155 {strides = array<i32>} : memref<64xi32, #tpu.memory_space<vmem>>, vector<16xi32>,
        %add3A_158 = arith.constant 48 : i32
        %add3A_159 = arith.addi %sub3A_115, %add3A_158 : i32
        %get3A_160 = arith.index_cast %add3A_159 : i32 to index
        %get3A_161 = tpu.vector_load %arg9[%get3A_160] {strides = array<i32>} : memref<3200xi32, #tpu.memory_space<vmem>>, vector<16xi32>,
        %swap3A_162 = arith.constant 48 : index
        %swap3A_163 = tpu.vector_load %arg11[%swap3A_162] {strides = array<i32>} : memref<64xi32, #tpu.memory_space<vmem>>, vector<16xi32>,
        tpu.vector_store %arg11[%swap3A_162], %get3A_161 {strides = array<i32>} : memref<64xi32, #tpu.memory_space<vmem>>, vector<16xi32>,
        %dma_start3A = arith.constant 0 : i32
        %dma_start3A_164 = arith.constant 0 : i32
        %dma_start3A_165 = tpu.memref_slice %arg3[%dma_start3A, %dma_start3A_164] : memref<16384x256xf32, #tpu.memory_space<hbm>> -> memref<16384x256xf32, #tpu.memory_space<hbm>>
        tpu.enqueue_indirect_dma source(%dma_start3A_165 : memref<16384x256xf32, #tpu.memory_space<hbm>>) target(%arg12 : memref<64x256xf32, #tpu.memory_space<vmem>>) offsets(%arg11 : memref<64xi32, #tpu.memory_space<vmem>>) semaphore(%arg13 : memref<!tpu.dma_semaphore, #tpu.memory_space<semaphore_mem>>)
        %dma_wait3A = arith.constant 0 : i32
        %dma_wait3A_166 = arith.constant 0 : i32
        %dma_wait3A_167 = tpu.memref_slice %arg3[%dma_wait3A, %dma_wait3A_166] : memref<16384x256xf32, #tpu.memory_space<hbm>> -> memref<16384x256xf32, #tpu.memory_space<hbm>>
        tpu.wait_indirect_dma semaphore(%arg13 : memref<!tpu.dma_semaphore, #tpu.memory_space<semaphore_mem>>) src(%dma_wait3A_167 : memref<16384x256xf32, #tpu.memory_space<hbm>>) dst(%arg12 : memref<64x256xf32, #tpu.memory_space<vmem>>)
        %dma_start3A_168 = arith.constant 0 : i32
        %dma_start3A_169 = arith.constant 0 : i32
        %dma_start3A_170 = tpu.memref_slice %arg4[%dma_start3A_168, %dma_start3A_169] : memref<100000x256xf32, #tpu.memory_space<hbm>> -> memref<100000x256xf32, #tpu.memory_space<hbm>>
        tpu.enqueue_indirect_dma source(%arg12 : memref<64x256xf32, #tpu.memory_space<vmem>>) target(%dma_start3A_170 : memref<100000x256xf32, #tpu.memory_space<hbm>>) offsets(%arg10 : memref<64xi32, #tpu.memory_space<vmem>>) semaphore(%arg14 : memref<!tpu.dma_semaphore, #tpu.memory_space<semaphore_mem>>)
        %dma_wait3A_171 = arith.constant 0 : i32
        %dma_wait3A_172 = arith.constant 0 : i32
        %dma_wait3A_173 = tpu.memref_slice %arg4[%dma_wait3A_171, %dma_wait3A_172] : memref<100000x256xf32, #tpu.memory_space<hbm>> -> memref<100000x256xf32, #tpu.memory_space<hbm>>
        tpu.wait_indirect_dma semaphore(%arg14 : memref<!tpu.dma_semaphore, #tpu.memory_space<semaphore_mem>>) src(%arg12 : memref<64x256xf32, #tpu.memory_space<vmem>>) dst(%dma_wait3A_173 : memref<100000x256xf32, #tpu.memory_space<hbm>>)
        %while3A_174 = arith.constant 0 : i32
        scf.yield %while3A_174 : i32
      }
      %while3A_108 = arith.constant 1 : i32
      %while3A_109 = scf.for %while3A_110 = %while3A_105 to %while3A_101 step %while3A_108 iter_args(%while3A_111 = %while3A_107) -> (i32)  : i32 {
        %sub3A_112 = arith.subi %select_n3A_98, %while3A_110 : i32
        %mul3A_113 = arith.constant 64 : i32
        %mul3A_114 = arith.muli %sub3A_112, %mul3A_113 : i32
        %sub3A_115 = arith.subi %scan3A_25, %mul3A_114 : i32
        %add3A_116 = arith.constant 0 : i32
        %add3A_117 = arith.addi %sub3A_115, %add3A_116 : i32
        %get3A_118 = arith.index_cast %add3A_117 : i32 to index
        %get3A_119 = tpu.vector_load %arg8[%get3A_118] {strides = array<i32>} : memref<3200xi32, #tpu.memory_space<vmem>>, vector<16xi32>,
        %swap3A_120 = arith.constant 0 : index
        %swap3A_121 = tpu.vector_load %arg10[%swap3A_120] {strides = array<i32>} : memref<64xi32, #tpu.memory_space<vmem>>, vector<16xi32>,
        tpu.vector_store %arg10[%swap3A_120], %get3A_119 {strides = array<i32>} : memref<64xi32, #tpu.memory_space<vmem>>, vector<16xi32>,
        %add3A_122 = arith.constant 0 : i32
        %add3A_123 = arith.addi %sub3A_115, %add3A_122 : i32
        %get3A_124 = arith.index_cast %add3A_123 : i32 to index
        %get3A_125 = tpu.vector_load %arg9[%get3A_124] {strides = array<i32>} : memref<3200xi32, #tpu.memory_space<vmem>>, vector<16xi32>,
        %swap3A_126 = arith.constant 0 : index
        %swap3A_127 = tpu.vector_load %arg11[%swap3A_126] {strides = array<i32>} : memref<64xi32, #tpu.memory_space<vmem>>, vector<16xi32>,
        tpu.vector_store %arg11[%swap3A_126], %get3A_125 {strides = array<i32>} : memref<64xi32, #tpu.memory_space<vmem>>, vector<16xi32>,
        %add3A_128 = arith.constant 16 : i32
        %add3A_129 = arith.addi %sub3A_115, %add3A_128 : i32
        %get3A_130 = arith.index_cast %add3A_129 : i32 to index
        %get3A_131 = tpu.vector_load %arg8[%get3A_130] {strides = array<i32>} : memref<3200xi32, #tpu.memory_space<vmem>>, vector<16xi32>,
        %swap3A_132 = arith.constant 16 : index
        %swap3A_133 = tpu.vector_load %arg10[%swap3A_132] {strides = array<i32>} : memref<64xi32, #tpu.memory_space<vmem>>, vector<16xi32>,
        tpu.vector_store %arg10[%swap3A_132], %get3A_131 {strides = array<i32>} : memref<64xi32, #tpu.memory_space<vmem>>, vector<16xi32>,
        %add3A_134 = arith.constant 16 : i32
        %add3A_135 = arith.addi %sub3A_115, %add3A_134 : i32
        %get3A_136 = arith.index_cast %add3A_135 : i32 to index
        %get3A_137 = tpu.vector_load %arg9[%get3A_136] {strides = array<i32>} : memref<3200xi32, #tpu.memory_space<vmem>>, vector<16xi32>,
        %swap3A_138 = arith.constant 16 : index
        %swap3A_139 = tpu.vector_load %arg11[%swap3A_138] {strides = array<i32>} : memref<64xi32, #tpu.memory_space<vmem>>, vector<16xi32>,
        tpu.vector_store %arg11[%swap3A_138], %get3A_137 {strides = array<i32>} : memref<64xi32, #tpu.memory_space<vmem>>, vector<16xi32>,
        %add3A_140 = arith.constant 32 : i32
        %add3A_141 = arith.addi %sub3A_115, %add3A_140 : i32
        %get3A_142 = arith.index_cast %add3A_141 : i32 to index
        %get3A_143 = tpu.vector_load %arg8[%get3A_142] {strides = array<i32>} : memref<3200xi32, #tpu.memory_space<vmem>>, vector<16xi32>,
        %swap3A_144 = arith.constant 32 : index
        %swap3A_145 = tpu.vector_load %arg10[%swap3A_144] {strides = array<i32>} : memref<64xi32, #tpu.memory_space<vmem>>, vector<16xi32>,
        tpu.vector_store %arg10[%swap3A_144], %get3A_143 {strides = array<i32>} : memref<64xi32, #tpu.memory_space<vmem>>, vector<16xi32>,
        %add3A_146 = arith.constant 32 : i32
        %add3A_147 = arith.addi %sub3A_115, %add3A_146 : i32
        %get3A_148 = arith.index_cast %add3A_147 : i32 to index
        %get3A_149 = tpu.vector_load %arg9[%get3A_148] {strides = array<i32>} : memref<3200xi32, #tpu.memory_space<vmem>>, vector<16xi32>,
        %swap3A_150 = arith.constant 32 : index
        %swap3A_151 = tpu.vector_load %arg11[%swap3A_150] {strides = array<i32>} : memref<64xi32, #tpu.memory_space<vmem>>, vector<16xi32>,
        tpu.vector_store %arg11[%swap3A_150], %get3A_149 {strides = array<i32>} : memref<64xi32, #tpu.memory_space<vmem>>, vector<16xi32>,
        %add3A_152 = arith.constant 48 : i32
        %add3A_153 = arith.addi %sub3A_115, %add3A_152 : i32
        %get3A_154 = arith.index_cast %add3A_153 : i32 to index
        %get3A_155 = tpu.vector_load %arg8[%get3A_154] {strides = array<i32>} : memref<3200xi32, #tpu.memory_space<vmem>>, vector<16xi32>,
        %swap3A_156 = arith.constant 48 : index
        %swap3A_157 = tpu.vector_load %arg10[%swap3A_156] {strides = array<i32>} : memref<64xi32, #tpu.memory_space<vmem>>, vector<16xi32>,
        tpu.vector_store %arg10[%swap3A_156], %get3A_155 {strides = array<i32>} : memref<64xi32, #tpu.memory_space<vmem>>, vector<16xi32>,
        %add3A_158 = arith.constant 48 : i32
        %add3A_159 = arith.addi %sub3A_115, %add3A_158 : i32
        %get3A_160 = arith.index_cast %add3A_159 : i32 to index
        %get3A_161 = tpu.vector_load %arg9[%get3A_160] {strides = array<i32>} : memref<3200xi32, #tpu.memory_space<vmem>>, vector<16xi32>,
        %swap3A_162 = arith.constant 48 : index
        %swap3A_163 = tpu.vector_load %arg11[%swap3A_162] {strides = array<i32>} : memref<64xi32, #tpu.memory_space<vmem>>, vector<16xi32>,
        tpu.vector_store %arg11[%swap3A_162], %get3A_161 {strides = array<i32>} : memref<64xi32, #tpu.memory_space<vmem>>, vector<16xi32>,
        %dma_start3A = arith.constant 0 : i32
        %dma_start3A_164 = arith.constant 0 : i32
        %dma_start3A_165 = tpu.memref_slice %arg3[%dma_start3A, %dma_start3A_164] : memref<16384x256xf32, #tpu.memory_space<hbm>> -> memref<16384x256xf32, #tpu.memory_space<hbm>>
        tpu.enqueue_indirect_dma source(%dma_start3A_165 : memref<16384x256xf32, #tpu.memory_space<hbm>>) target(%arg12 : memref<64x256xf32, #tpu.memory_space<vmem>>) offsets(%arg11 : memref<64xi32, #tpu.memory_space<vmem>>) semaphore(%arg13 : memref<!tpu.dma_semaphore, #tpu.memory_space<semaphore_mem>>)
        %dma_wait3A = arith.constant 0 : i32
        %dma_wait3A_166 = arith.constant 0 : i32
        %dma_wait3A_167 = tpu.memref_slice %arg3[%dma_wait3A, %dma_wait3A_166] : memref<16384x256xf32, #tpu.memory_space<hbm>> -> memref<16384x256xf32, #tpu.memory_space<hbm>>
        tpu.wait_indirect_dma semaphore(%arg13 : memref<!tpu.dma_semaphore, #tpu.memory_space<semaphore_mem>>) src(%dma_wait3A_167 : memref<16384x256xf32, #tpu.memory_space<hbm>>) dst(%arg12 : memref<64x256xf32, #tpu.memory_space<vmem>>)
        %dma_start3A_168 = arith.constant 0 : i32
        %dma_start3A_169 = arith.constant 0 : i32
        %dma_start3A_170 = tpu.memref_slice %arg4[%dma_start3A_168, %dma_start3A_169] : memref<100000x256xf32, #tpu.memory_space<hbm>> -> memref<100000x256xf32, #tpu.memory_space<hbm>>
        tpu.enqueue_indirect_dma source(%arg12 : memref<64x256xf32, #tpu.memory_space<vmem>>) target(%dma_start3A_170 : memref<100000x256xf32, #tpu.memory_space<hbm>>) offsets(%arg10 : memref<64xi32, #tpu.memory_space<vmem>>) semaphore(%arg14 : memref<!tpu.dma_semaphore, #tpu.memory_space<semaphore_mem>>)
        %dma_wait3A_171 = arith.constant 0 : i32
        %dma_wait3A_172 = arith.constant 0 : i32
        %dma_wait3A_173 = tpu.memref_slice %arg4[%dma_wait3A_171, %dma_wait3A_172] : memref<100000x256xf32, #tpu.memory_space<hbm>> -> memref<100000x256xf32, #tpu.memory_space<hbm>>
        tpu.wait_indirect_dma semaphore(%arg14 : memref<!tpu.dma_semaphore, #tpu.memory_space<semaphore_mem>>) src(%arg12 : memref<64x256xf32, #tpu.memory_space<vmem>>) dst(%dma_wait3A_173 : memref<100000x256xf32, #tpu.memory_space<hbm>>)
        %while3A_174 = arith.constant 0 : i32
        scf.yield %while3A_174 : i32
      }
    } else {
    }
    return
  }
}

</mosaic_0001>

<sc_bundles>
// kernel: _.3.cloned.1.call-start
scs
__scs_entry_jumppad:
0x0: {  	(pc) =	sbr.rel $0x88, $3  }
0x1: {  	(tag) =	ssettag $0x0;
	lr =	simm.s32 $0x1  }
0x2: {  	[smem:$0x3F9E] =	sst lr;
	_ =	strace $0xD0000000  }
0x3: {  	_ = 	snop  }
0x4: {  	_ = 	snop  }
0x5: {  	_ = 	snop  }
0x6: {  	_ = 	snop  }
0x7: {  	_ = 	snop  }
__scs_overlays_trampoline_lowered:
0x8: {  	[smem:$0x3FAD] =	sst s0  }
0x9: {  	[smem:$0x3FAE] =	sst s1  }
0xa: {  	[smem:$0x3FAF] =	sst s2  }
0xb: {  	[smem:$0x3FB0] =	sst s3  }
0xc: {  	[smem:$0x3FB1] =	sst s4  }
0xd: {  	[smem:$0x3FB2] =	sst s5  }
0xe: {  	[smem:$0x3FB3] =	sst s6  }
0xf: {  	[smem:$0x3FB4] =	sst s7  }
0x10: {  	[smem:$0x3FB5] =	sst s8  }
0x11: {  	[smem:$0x3FB6] =	sst s9;
	s0 =	simm.s32 @!p0 $0x0  }
0x12: {  	s1 =	sld [smem:$0x3F9C];
	s0 =	simm.s32 @p0 $0x1  }
0x13: {  	[smem:$0x3FB7] =	sst s0;
	s0 =	simm.s32 @!p1 $0x0  }
0x14: {  	s2 =	sld [smem:$0x3F9B];
	s0 =	simm.s32 @p1 $0x1  }
0x15: {  	[smem:$0x3FB8] =	sst s0;
	s0 =	simm.s32 @!p2 $0x0  }
0x16: {  	s3 =	sld [smem:$0x3FDB];
	s0 =	simm.s32 @p2 $0x1  }
0x17: {  	s4 =	simm.s32 $0x1BF5;
	[smem:$0x3FBA] =	sst s0  }
0x18: {  	s0 =	sld [smem:$0x3F9D];
	_ =	swait.ge [sflag:s4], $0x0  }
0x19: {  	s7 =	sld [smem:$0x3F9E]  }
0x1a: {  	s8 =	sadd.s32 $0xFFFFE003, lr  }
0x1b: {  	s9 =	sadd.s32 $0xFFFFFEF7, lr;
	s5 =	simm.s32 $0xFFFFFFFF;
	p2 =	slt.u32 s8, $0xFFFFF086  }
0x1c: {  	p1 =	slt.u32 s9, $0xF7A;
	s5 =	simm.s32 @!p2 $0x0  }
0x1d: {  	s5 =	simm.s32 @p1 $0x1;
	p0 =	seq.s32 s7, s2  }
0x1e: {  	s7 =	smul.u32 @!p0 $0xF7A, s2;
	p2 =	seq.s32 @!p0 s5, $0x0  }
0x1f: {  	s9 =	smul.u32 $0xF7A, s1;
	s8 =	simm.s32 @!p0 $0x1BF5;
	p2 =	por !p2, p0  }
0x20: {  	[sflag:s8] =	ssyncset.s32 @!p0 $0xFFFFF086;
	s6 =	sadd.s32 @!p0 s3, s7;
	s7 =	simm.s32 @!p0 $0x108  }
0x21: {  	s3 =	sadd.s32 s3, s9;
	s6 =	sadd.s32 @!p0 $0x88, s6;
	s7 =	simm.s32 @p2 $0x1082  }
0x22: {  	[simem:s7], [sflag:s8] =	dma.local @!p0 [hbm:s6], $0xF7A  }
0x23: {  	s9 =	sor.u32 $0xD0000000, s2;
	s6 =	simm.s32 $0x108;
	_ =	swait.ge @!p0 [sflag:s8], $0x0  }
0x24: {  	s3 =	sadd.s32 $0x88, s3;
	s6 =	simm.s32 @!p1 $0x1082;
	[sflag:s4] =	ssyncset.s32 $0xFFFFF086  }
0x25: {  	[simem:s6], [sflag:s4] =	dma.local [hbm:s3], $0xF7A  }
0x26: {  	[smem:$0x3F9E] =	sst s1;
	(tag) =	ssettag s2;
	_ =	strace s9  }
0x27: {  	s1 =	sld [smem:$0x3FAE]  }
0x28: {  	s2 =	sld [smem:$0x3FAF]  }
0x29: {  	s4 =	sld [smem:$0x3FB1]  }
0x2a: {  	p0 =	seq.s32 s5, $0x0;
	s5 =	sld [smem:$0x3FB2]  }
0x2b: {  	s6 =	sld [smem:$0x3FB3]  }
0x2c: {  	s7 =	sld [smem:$0x3FB4]  }
0x2d: {  	s3 =	simm.s32 $0x108;
	s8 =	sld [smem:$0x3FB5]  }
0x2e: {  	s3 =	simm.s32 @!p0 $0x1082;
	s9 =	sld [smem:$0x3FB6]  }
0x2f: {  	lr =	sadd.s32 s0, s3;
	s0 =	sld [smem:$0x3FAD]  }
0x30: {  	s3 =	sld [smem:$0x3FB0]  }
0x31: {  	[smem:$0x3FB9] =	sst s10  }
0x32: {  	s10 =	sld [smem:$0x3FB7];
	_ =	sdelay $0x3  }
0x33: {  	p0 =	seq.s32 s10, $0x1;
	s10 =	sld [smem:$0x3FB9];
	_ =	sdelay $0x3  }
0x34: {  	[smem:$0x3FB9] =	sst s10  }
0x35: {  	s10 =	sld [smem:$0x3FB8];
	_ =	sdelay $0x3  }
0x36: {  	p1 =	seq.s32 s10, $0x1;
	s10 =	sld [smem:$0x3FB9];
	_ =	sdelay $0x3  }
0x37: {  	[smem:$0x3FB9] =	sst s10  }
0x38: {  	s10 =	sld [smem:$0x3FBA]  }
0x39: {  	_ = 	snop;
	(pc) =	sbr.ind lr, $3  }
0x3a: {  	_ = 	snop  }
0x3b: {  	_ = 	snop  }
0x3c: {  	p2 =	seq.s32 s10, $0x1;
	s10 =	sld [smem:$0x3FB9]  }
0x3d: {  	_ =	shalt  }
0x3e: {  	_ =	shalt  }
0x3f: {  	_ =	shalt  }
0x40: {  	_ =	shalt  }
0x41: {  	_ =	shalt  }
0x42: {  	_ =	shalt  }
0x43: {  	_ =	shalt  }
0x44: {  	_ =	shalt  }
0x45: {  	_ =	shalt  }
0x46: {  	_ =	shalt  }
0x47: {  	_ =	shalt  }
0x48: {  	_ =	shalt  }
0x49: {  	_ =	shalt  }
0x4a: {  	_ =	shalt  }
0x4b: {  	_ =	shalt  }
0x4c: {  	_ =	shalt  }
0x4d: {  	_ =	shalt  }
0x4e: {  	_ =	shalt  }
0x4f: {  	_ =	shalt  }
0x50: {  	_ =	shalt  }
0x51: {  	_ =	shalt  }
0x52: {  	_ =	shalt  }
0x53: {  	_ =	shalt  }
0x54: {  	_ =	shalt  }
0x55: {  	_ =	shalt  }
0x56: {  	_ =	shalt  }
0x57: {  	_ =	shalt  }
0x58: {  	_ =	shalt  }
0x59: {  	_ =	shalt  }
0x5a: {  	_ =	shalt  }
0x5b: {  	_ =	shalt  }
0x5c: {  	_ =	shalt  }
0x5d: {  	_ =	shalt  }
0x5e: {  	_ =	shalt  }
0x5f: {  	_ =	shalt  }
0x60: {  	_ =	shalt  }
0x61: {  	_ =	shalt  }
0x62: {  	_ =	shalt  }
0x63: {  	_ =	shalt  }
0x64: {  	_ =	shalt  }
0x65: {  	_ =	shalt  }
0x66: {  	_ =	shalt  }
0x67: {  	_ =	shalt  }
0x68: {  	_ =	shalt  }
0x69: {  	_ =	shalt  }
0x6a: {  	_ =	shalt  }
0x6b: {  	_ =	shalt  }
0x6c: {  	_ =	shalt  }
0x6d: {  	_ =	shalt  }
0x6e: {  	_ =	shalt  }
0x6f: {  	_ =	shalt  }
0x70: {  	_ =	shalt  }
0x71: {  	_ =	shalt  }
0x72: {  	_ =	shalt  }
0x73: {  	_ =	shalt  }
0x74: {  	_ =	shalt  }
0x75: {  	_ =	shalt  }
0x76: {  	_ =	shalt  }
0x77: {  	_ =	shalt  }
0x78: {  	_ =	shalt  }
0x79: {  	_ =	shalt  }
0x7a: {  	_ =	shalt  }
0x7b: {  	_ =	shalt  }
0x7c: {  	_ =	shalt  }
0x7d: {  	_ =	shalt  }
0x7e: {  	_ =	shalt  }
0x7f: {  	_ =	shalt  }
0x80: {  	_ =	shalt  }
0x81: {  	_ =	shalt  }
0x82: {  	_ =	shalt  }
0x83: {  	_ =	shalt  }
0x84: {  	_ =	shalt  }
0x85: {  	_ =	shalt  }
0x86: {  	_ =	shalt  }
0x87: {  	_ =	shalt  }
.Lfunc_end0:
.L_simem_size_0:
called_computation_lowered:
.L_overlay_start_0:
0x88: {  	s2 =	sld [smem:$0x3FD9]  }
0x89: {  	s3 =	sld [smem:$0x3FFE];
	_ =	sdelay $0x1  }
0x8a: {  	s1 =	srdreg.scid  }
0x8b: {  	s0 =	sand.u32 $0x1, s1  }
0x8c: {  	s18 =	sshll.u32 s0, $0xA;
	s2 =	sadd.s32 s3, s2  }
0x8d: {  	s2 =	sadd.s32 s2, s18  }
0x8e: {  	[smem:$0x3FC5] =	sst s2  }
0x8f: {  	_ = 	snop  }
0x90: {  	s2 =	sld [smem:$0x3FC8]  }
0x91: {  	s19 =	sld [smem:$0x3FC7]  }
0x92: {  	s4 =	sld [smem:$0x3FD0];
	(tm) =	ssettm $0x1  }
0x93: {  	s5 =	sld [smem:$0x3FFB];
	_ =	sdelay $0x3  }
0x94: {  	_ =	strace s5  }
0x95: {  	s5 =	sld [smem:$0x3FFC];
	_ =	sdelay $0x3  }
0x96: {  	_ =	strace s5  }
0x97: {  	s5 =	sld [smem:$0x3FFD];
	_ =	sdelay $0x3  }
0x98: {  	_ =	strace s5  }
0x99: {  	_ =	strace $0x8FFFFFFF  }
0x9a: {  	s20 =	sld [smem:$0x3FDB];
	_ =	sdelay $0x1  }
0x9b: {  	s6 =	simm.s32 $_scs_section_size  }
0x9c: {  	s7 =	simm.s32 $_size__tile_overlayer_lowered;
	s8 =	simm.s32 $_tile_overlayer_lowered  }
0x9d: {  	s23 =	simm.s32 $0x1BFF;
	s22 =	sshll.u32 s8, $0x1;
	s5 =	sadd.s32 s6, s20  }
0x9e: {  	s9 =	simm.s32 $0x0;
	s21 =	sshll.u32 s7, $0x1;
	s7 =	sadd.s32 s22, s5  }
0x9f: {  	[timem:s9], [sflag:s23] =	dma.local [hbm:s7], s21  }
0xa0: {  	_ =	swait.ge [sflag:s23], s21  }
0xa1: {  	s6 =	ssub.s32 $0x0, s21;
	[sflag:s23] =	ssyncset.done $0x0  }
0xa2: {  	[sflag:s23] =	ssyncadd.s32 s6;
	_ =	sdelay $0x1  }
0xa3: {  	s24 =	simm.s32 $0x1B8B  }
0xa4: {  	_ =	swait.ge [sflag:s24], $0x1  }
0xa5: {  	[sflag:s24] =	ssyncset.done $0x0  }
0xa6: {  	s25 =	simm.s32 $0x1B8E;
	[sflag:s24] =	ssyncadd.s32 $0xFFFFFFFF  }
0xa7: {  	s26 =	simm.s32 $execute0_lowered;
	[smem:$0x3FD2] =	sst s25  }
0xa8: {  	s6 =	sshll.u32 s26, $0x1;
	_ =	strace $0x80000046;
	[dreg:$0x1] =	wrdreg $0xFFFFFFFF  }
0xa9: {  	s28 =	simm.s32 $_size_execute0_lowered;
	s5 =	sadd.s32 s5, s6;
	[dreg:$0x0] =	wrdreg $0x0  }
0xaa: {  	s6 =	sshll.u32 s28, $0x1;
	[dreg:$0x2] =	wrdreg s5  }
0xab: {  	[dreg:$0x3] =	wrdreg s6  }
0xac: {  	[dreg:$0x4] =	wrdreg $0xC0  }
0xad: {  	_ =	task [dreg:s9], $0x5FFFF  }
0xae: {  	[dreg:$0x1] =	wrdreg $0xFFFFFFFF  }
0xaf: {  	[dreg:$0x0] =	wrdreg $0x60  }
0xb0: {  	[dreg:$0x2] =	wrdreg s2  }
0xb1: {  	[dreg:$0x3] =	wrdreg s19  }
0xb2: {  	[dreg:$0x4] =	wrdreg s4  }
0xb3: {  	[dreg:$0x5] =	wrdreg $0x9  }
0xb4: {  	_ =	task.clear_ibuf [dreg:s9], $0x6FFFF;
	_ =	strace $0x90000046  }
0xb5: {  	s29 =	simm.s32 $0x9;
	_ =	strace $0x80000048  }
0xb6: {  	_ =	swait.ge [sflag:s29], $0x1  }
0xb7: {  	[sflag:s29] =	ssyncadd.s32 $0xFFFFFFFF  }
0xb8: {  	_ =	strace $0x90000048  }
0xb9: {  	_ =	sfence  }
0xba: {  	s30 =	sld [smem:$0x0];
	_ =	sdelay $0x2  }
0xbb: {  	s31 =	sshll.u32 s1, $0xD;
	s1 =	sshrl.u32 s1, $0x2  }
0xbc: {  	s3 =	sand.u32 $0x4000, s31;
	s1 =	sadd.s32 s1, s30  }
0xbd: {  	s0 =	sor.u32 s3, s0;
	s1 =	sshll.u32 s1, $0x11  }
0xbe: {  	s0 =	sor.u32 s1, s0  }
0xbf: {  	s0 =	sadd.s32 $0x8F2B, s0  }
0xc0: {  	[sflag:s0] =	ssyncadd.remote.s32 $0x1  }
0xc1: {  	_ =	sfence.sel $0xFFFF  }
0xc2: {  	[dreg:$0x0] =	wrdreg $0xFFFFFFFF;
	(pc) =	sbr.abs _section_cstart, $3  }
0xc3: {  	[dreg:$0x1] =	wrdreg $0xFFFFFFFF  }
0xc4: {  	_ =	task.clear_ibuf [dreg:s9], $0x2FFFF;
	_ =	strace $0x9FFFFFFF  }
0xc5: {  	(tm) =	ssettm $0x7FFFFFFF  }
tec
execute0_lowered:
.L_overlay_start_1:
0x0: {  	(tag) =	ssettag $0x1  }
0x1: {  	s1 =	rddreg [dreg:$0x0]  }
0x2: {  	s2 =	srdreg.scid;
	s3 =	rddreg [dreg:$0x1]  }
0x3: {  	s0 =	stileid.u32;
	s4 =	rddreg [dreg:$0x2];
	s10 =	simm.s32 $0x6680  }
0x4: {  	s11 =	simm.s32 $0x6E80;
	s13 =	simm.s32 $0x7E80;
	s14 =	simm.s32 $0x8680  }
0x5: {  	s15 =	simm.s32 $0x8E80;
	s16 =	simm.s32 $0x9680;
	s17 =	simm.s32 $0x9E80  }
0x6: {  	s18 =	simm.s32 $0x1;
	s5 =	sand.u32 $0x1, s2;
	s29 =	sshll.u32 s0, $0x1  }
0x7: {  	s19 =	simm.s32 $0x2;
	s30 =	smul.u32 $0x1880, s0;
	s7 =	sor.u32 s5, s29  }
0x8: {  	s20 =	simm.s32 $0x0;
	s2 =	rddreg [dreg:$0x3];
	s9 =	smul.u32 $0xC40, s7  }
.Ltmp0:
0x9: {  	_ =	strace $0x80000047;
	s6 =	ssub.s32 $0x2, s5;
	(pc) =	sbr.rel .LBB2_1-.Ltmp0, $4  }
0xa: {  	v2 =	vimm.s32 $0xFFFFFFFF;
	s31 =	smul.u32 $0xC40, s5;
	s8 =	sshrl.u32 s6, $0x1;
	p0 =	seq.s32 s7, $0x1F  }
0xb: {  	v3 =	vlaneseq.u32;
	v4 =	vimm.s32 $0x0;
	vm0 =	vmmov $0xffff;
	s7 =	simm.s32 $0x0;
	s6 =	ssub.s32 s6, s8;
	s12 =	sadd.s32 $0xC40, s9  }
0xc: {  	v5 =	vand.u32 $0x7, v3;
	v6 =	vshrl.u32 v3, $0x3;
	v7 =	vor.u32 $0x8, v3;
	s8 =	simm.s32 $0x3;
	s5 =	smax.u32 s6, $0x1;
	s12 =	simm.s32 @p0 $0x186A0  }
0xd: {  	v6 =	vmul.u32 $0x8, v6;
	s6 =	sadd.s32 s31, s30;
	v0 =	vmov s9;
	s9 =	simm.s32 $0x4000;
	v1 =	vmov s12;
	s12 =	simm.s32 $0x7680  }
.LBB2_10:
0xe: {  	s20 =	sadd.s32 $0x1, s20  }
0xf: {  	p0 =	sne.s32 s20, s5  }
.Ltmp1:
0x10: {  	_ = 	snop;
	(pc) =	sbr.rel @!p0 .LBB2_11-.Ltmp1, $1  }
0x11: {  	_ =	sdelay $0x3  }
.LBB2_1:
0x12: {  	[tilespmem:s7], [sflag:$0x3] =	stream.linear.gather [hbm4b:s1+s7], $0x4000, $0x38;
	[tilespmem:$0xA680] =	vst v63  }
0x13: {  	_ =	swait.ge [sflag:s8], $0x4000  }
0x14: {  	[sflag:s8] =	ssyncset.done $0x0  }
0x15: {  	s21 =	simm.s32 $0x40;
	s22 =	simm.s32 $0x0;
	[sflag:s8] =	ssyncadd.s32 $0xFFFFC000  }
.LBB2_2:
0x16: {  	p0 =	sne.s32 s21, $0x30C0;
	[tilespmem:s22+$0x4000] =	vst v2;
	s22 =	smov.u32 s21;
	s21 =	sadd.s32 $0x40, s21  }
.Ltmp2:
0x17: {  	(pc) =	sbr.rel @p0 .LBB2_2-.Ltmp2, $2  }
0x18: {  	_ =	sdelay $0x2  }
0x19: {  	s22 =	sshra.s32 s22, $0x2  }
0x1a: {  	[tilespmem:s22+$0x4000] =	vst v2;
	s21 =	simm.s32 $0x0;
	s22 =	simm.s32 $0x0  }
.LBB2_4:
0x1b: {  	v8 =	vld [tilespmem:s21+$0x0];
	_ =	sdelay $0x4  }
0x1c: {  	vm1 =	vge.s32 v8, v0;
	vm2 =	vlt.s32 v8, v1  }
0x1d: {  	v8 =	vsub.s32 v8, v0;
	vm1 =	vmand vm1, vm2  }
0x1e: {  	(xrf1) =	vunique.msk.u32 vm1, v8;
	_ =	sdelay $0xd  }
0x1f: {  	_, v9, vm1 =	vpop (xrf1)  }
0x20: {  	p0 =	sne.s32 s22, $0x3FF0  }
.Ltmp3:
0x21: {  	_ = 	snop;
	(pc) =	sbr.rel @p0 .LBB2_4-.Ltmp3, $3  }
0x22: {  	_ =	sdelay $0x1  }
0x23: {  	v9 =	vor.u32 s22, v3  }
0x24: {  	s21 =	sadd.s32 $0x10, s21;
	s22 =	sadd.s32 $0x10, s22;
	[tilespmem:v8+s9+$0x0] =	vst.idx.msk vm1, v9  }
0x25: {  	s21 =	simm.s32 $0x0  }
0x26: {  	v8 =	vld [tilespmem:s21+$0x4000];
	_ =	sdelay $0x4  }
0x27: {  	vm1 =	vgt.s32 v8, $0xFFFFFFFF  }
0x28: {  	v9 =	vsel vm1, $0x1, v4  }
0x29: {  	(xrf0) =	vadd.scan.msk.s32 $0xffff, v9;
	_ =	sdelay $0x5  }
0x2a: {  	v10, _, _ =	vpop (xrf0)  }
0x2b: {  	v63 =	vor.u32 s6, v3;
	s21 =	simm.s32 $0x40;
	(v2sf) =	vpush v10, $0xF  }
0x2c: {  	[tilespmem:s21+$0x4C80] =	vst.msk vm1, v63  }
0x2d: {  	s24 =	simm.s32 $0x10;
	s23 =	simm.s32 $0x80;
	s22 =	smov.u32 s6;
	[tilespmem:s21+$0x5900] =	vst.msk vm1, v8  }
.LBB2_6:
0x2e: {  	p0 =	sne.s32 s23, $0x30C0;
	v8 =	vld [tilespmem:s24+$0x4000];
	_ =	sdelay $0x4  }
0x2f: {  	vm1 =	vgt.s32 v8, $0xFFFFFFFF  }
0x30: {  	v9 =	vsel vm1, $0x1, v4  }
0x31: {  	(xrf0) =	vadd.scan.msk.s32 $0xffff, v9;
	_ =	sdelay $0x4  }
.Ltmp4:
0x32: {  	s22 =	sadd.s32 $0x10, s22;
	s24 =	spop (v2sf);
	(pc) =	sbr.rel @p0 .LBB2_6-.Ltmp4, $4  }
0x33: {  	v9 =	vor.u32 s22, v3;
	v10, _, _ =	vpop (xrf0);
	s21 =	sadd.s32 s21, s24  }
0x34: {  	[tilespmem:s21+$0x4C80] =	vst.msk vm1, v9;
	(v2sf) =	vpush v10, $0xF  }
0x35: {  	[tilespmem:s21+$0x5900] =	vst.msk vm1, v8  }
0x36: {  	s24 =	sshra.s32 s23, $0x2;
	s23 =	sadd.s32 $0x40, s23  }
0x37: {  	v8 =	vld [tilespmem:s24+$0x4000];
	_ =	sdelay $0x4  }
0x38: {  	vm1 =	vgt.s32 v8, $0xFFFFFFFF  }
0x39: {  	v9 =	vsel vm1, $0x1, v4  }
0x3a: {  	(xrf0) =	vadd.scan.msk.s32 $0xffff, v9;
	_ =	sdelay $0x5  }
0x3b: {  	v9, _, _ =	vpop (xrf0)  }
0x3c: {  	(v2sf) =	vpush v9, $0xF;
	_ =	sdelay $0xd  }
0x3d: {  	s23 =	spop (v2sf)  }
0x3e: {  	s30 =	sadd.s32 $0x10, s22;
	s22 =	sadd.s32 s21, s23;
	s23 =	spop (v2sf)  }
0x3f: {  	v63 =	vor.u32 s30, v3;
	s21 =	sadd.s32 s22, s23  }
0x40: {  	[tilespmem:s22+$0x4C80] =	vst.msk vm1, v63;
	s31 =	sadd.s32 $0xFFFFFFC0, s21  }
0x41: {  	[tilespmem:s22+$0x5900] =	vst.msk vm1, v8;
	p0 =	slt.s32 s31, $0x1  }
0x42: {  	v8 =	vld @!p0 [tilespmem:$0x4CC0];
	_ =	sdelay $0x3  }
0x43: {  	v9 =	vld @!p0 [tilespmem:$0x5940];
	vm1 =	vmmov @!p0 $0x1  }
0x44: {  	v8 =	vnsel @!p0 vm1, $0x0, v8  }
0x45: {  	(xrf0) =	vadd.scan.msk.s32 @!p0 $0xffff, v8;
	_ =	sdelay $0x1  }
0x46: {  	s21 =	sadd.s32 @!p0 $0xFFFFFFFF, s21  }
0x47: {  	s24 =	sand.u32 @!p0 $0x3F, s21;
	v8 =	vnsel @!p0 vm1, $0x0, v9  }
0x48: {  	p1 =	slt.s32 @!p0 s21, $0x1;
	p2 =	sne.s32 @!p0 s24, $0x0;
	(xrf0) =	vadd.scan.msk.s32 @!p0 $0xffff, v8  }
0x49: {  	s24 =	sshra.s32 @!p0 s21, $0x1F;
	p1 =	por @!p0 !p1, !p2  }
0x4a: {  	s24 =	sshrl.u32 @!p0 s24, $0x1A;
	p1 =	por @!p0 !p1, !p1;
	v8, _, _ =	vpop @!p0 (xrf0)  }
0x4b: {  	s21 =	sadd.s32 @!p0 s24, s21;
	s24 =	simm.s32 @!p0 $0x1;
	p1 =	por !p1, p0;
	v8 =	vbroadcast @!p0 v8, $0xF  }
0x4c: {  	s21 =	sshra.s32 @!p0 s21, $0x6;
	s24 =	simm.s32 @p1 $0x0  }
0x4d: {  	s21 =	ssub.s32 @!p0 s21, s24;
	[tilespmem:$0x4C80] =	vst @!p0 v8  }
0x4e: {  	p1 =	slt.s32 @!p0 s21, $0x1;
	v9, _, _ =	vpop @!p0 (xrf0);
	[tilespmem:$0x4C90] =	vst @!p0 v8  }
0x4f: {  	p1 =	por p0, p1;
	v9 =	vbroadcast @!p0 v9, $0xF;
	[tilespmem:$0x4CA0] =	vst @!p0 v8  }
.Ltmp5:
0x50: {  	[tilespmem:$0x4CB0] =	vst @!p0 v8;
	(pc) =	sbr.rel @p1 .LBB2_10-.Ltmp5, $4  }
0x51: {  	[tilespmem:$0x5900] =	vst @!p0 v9  }
0x52: {  	[tilespmem:$0x5910] =	vst @!p0 v9  }
0x53: {  	[tilespmem:$0x5920] =	vst @!p0 v9  }
0x54: {  	[tilespmem:$0x5930] =	vst @!p0 v9  }
0x55: {  	s24 =	sshll.u32 s21, $0x6  }
0x56: {  	s25 =	sshll.u32 s21, $0x8;
	s26 =	sadd.s32 s22, s23;
	s24 =	ssub.s32 s23, s24  }
0x57: {  	s25 =	ssub.s32 $0x0, s25;
	s26 =	sshll.u32 s26, $0x2;
	s28 =	sadd.s32 s22, s24  }
0x58: {  	s29 =	sshra.s32 s25, $0x2;
	s30 =	sshra.s32 s26, $0x2;
	s22 =	sshll.u32 s28, $0x2  }
0x59: {  	s23 =	sadd.s32 s30, s29;
	s31 =	sshra.s32 s22, $0x2  }
0x5a: {  	s22 =	sadd.s32 $0x4CA0, s23;
	s23 =	sadd.s32 $0x5900, s31  }
.LBB2_9:
0x5b: {  	v8 =	vld [tilespmem:s22+$0xFFFFFFE0];
	_ =	sdelay $0x4  }
0x5c: {  	[tilespmem:$0x6580] =	vst v8  }
0x5d: {  	v8 =	vld [tilespmem:s23+$0x0];
	_ =	sdelay $0x4  }
0x5e: {  	[tilespmem:$0x6600] =	vst v8  }
0x5f: {  	v8 =	vld [tilespmem:s22+$0xFFFFFFF0];
	_ =	sdelay $0x4  }
0x60: {  	[tilespmem:$0x6590] =	vst v8  }
0x61: {  	v8 =	vld [tilespmem:s23+$0x10];
	_ =	sdelay $0x4  }
0x62: {  	[tilespmem:$0x6610] =	vst v8  }
0x63: {  	v8 =	vld [tilespmem:s22+$0x0];
	_ =	sdelay $0x4  }
0x64: {  	[tilespmem:$0x65A0] =	vst v8  }
0x65: {  	v8 =	vld [tilespmem:s23+$0x20];
	_ =	sdelay $0x2  }
0x66: {  	v9 =	vld [tilespmem:$0x6600];
	_ =	sdelay $0x1  }
0x67: {  	[tilespmem:$0x6620] =	vst v8  }
0x68: {  	v8 =	vld [tilespmem:s22+$0x10];
	_ =	sdelay $0x1  }
0x69: {  	v10 =	vshll.u32 v9, $0x1  }
0x6a: {  	v9 =	vand.u32 $0x7, v9;
	v10 =	vand.u32 $0xFFFFFFF0, v10  }
0x6b: {  	v9 =	vor.u32 v9, v10  }
0x6c: {  	[tilespmem:$0x65B0] =	vst v8;
	v8 =	vperm.xlane v9, v5  }
0x6d: {  	v56 =	vld [tilespmem:s23+$0x30]  }
0x6e: {  	v9 =	vperm.xlane v9, v7;
	v8 =	vadd.s32 v6, v8;
	_ =	sdelay $0x1  }
0x6f: {  	v9 =	vadd.s32 v6, v9;
	_ =	sdelay $0x1  }
0x70: {  	[tilespmem:$0x6630] =	vst v56  }
0x71: {  	[tilespmem:s10], [sflag:$0x1] =	stream.indirect_vreg.gather [hbm4b:s3+s7], $0x80, v8, vm0, $0xb8;
	[tilespmem:$0xA680] =	vst v63  }
0x72: {  	_ = 	snop  }
0x73: {  	[tilespmem:s11], [sflag:$0x1] =	stream.indirect_vreg.gather [hbm4b:s3+s7], $0x80, v9, vm0, $0xb8;
	[tilespmem:$0xA680] =	vst v63  }
0x74: {  	v8 =	vld [tilespmem:$0x6610];
	_ =	sdelay $0x4  }
0x75: {  	v57 =	vshll.u32 v8, $0x1  }
0x76: {  	v8 =	vand.u32 $0x7, v8;
	v9 =	vand.u32 $0xFFFFFFF0, v57  }
0x77: {  	v8 =	vor.u32 v8, v9  }
0x78: {  	v9 =	vperm.xlane v8, v5;
	_ =	sdelay $0x1  }
0x79: {  	v8 =	vperm.xlane v8, v7;
	v9 =	vadd.s32 v6, v9;
	_ =	sdelay $0x1  }
0x7a: {  	v8 =	vadd.s32 v6, v8;
	_ =	sdelay $0x2  }
0x7b: {  	[tilespmem:s12], [sflag:$0x1] =	stream.indirect_vreg.gather [hbm4b:s3+s7], $0x80, v9, vm0, $0xb8;
	[tilespmem:$0xA680] =	vst v63  }
0x7c: {  	_ = 	snop  }
0x7d: {  	[tilespmem:s13], [sflag:$0x1] =	stream.indirect_vreg.gather [hbm4b:s3+s7], $0x80, v8, vm0, $0xb8;
	[tilespmem:$0xA680] =	vst v63  }
0x7e: {  	v8 =	vld [tilespmem:$0x6620];
	_ =	sdelay $0x4  }
0x7f: {  	v58 =	vshll.u32 v8, $0x1  }
0x80: {  	v8 =	vand.u32 $0x7, v8;
	v9 =	vand.u32 $0xFFFFFFF0, v58  }
0x81: {  	v8 =	vor.u32 v8, v9  }
0x82: {  	v9 =	vperm.xlane v8, v5;
	_ =	sdelay $0x1  }
0x83: {  	v8 =	vperm.xlane v8, v7;
	v9 =	vadd.s32 v6, v9;
	_ =	sdelay $0x1  }
0x84: {  	v8 =	vadd.s32 v6, v8;
	_ =	sdelay $0x2  }
0x85: {  	[tilespmem:s14], [sflag:$0x1] =	stream.indirect_vreg.gather [hbm4b:s3+s7], $0x80, v9, vm0, $0xb8;
	[tilespmem:$0xA680] =	vst v63  }
0x86: {  	_ = 	snop  }
0x87: {  	[tilespmem:s15], [sflag:$0x1] =	stream.indirect_vreg.gather [hbm4b:s3+s7], $0x80, v8, vm0, $0xb8;
	[tilespmem:$0xA680] =	vst v63  }
0x88: {  	v8 =	vld [tilespmem:$0x6630];
	_ =	sdelay $0x4  }
0x89: {  	v59 =	vshll.u32 v8, $0x1  }
0x8a: {  	v8 =	vand.u32 $0x7, v8;
	v9 =	vand.u32 $0xFFFFFFF0, v59  }
0x8b: {  	v8 =	vor.u32 v8, v9  }
0x8c: {  	v9 =	vperm.xlane v8, v5;
	_ =	sdelay $0x1  }
0x8d: {  	v8 =	vperm.xlane v8, v7;
	v9 =	vadd.s32 v6, v9;
	_ =	sdelay $0x1  }
0x8e: {  	v8 =	vadd.s32 v6, v8;
	_ =	sdelay $0x2  }
0x8f: {  	[tilespmem:s16], [sflag:$0x1] =	stream.indirect_vreg.gather [hbm4b:s3+s7], $0x80, v9, vm0, $0xb8;
	[tilespmem:$0xA680] =	vst v63  }
0x90: {  	_ = 	snop  }
0x91: {  	[tilespmem:s17], [sflag:$0x1] =	stream.indirect_vreg.gather [hbm4b:s3+s7], $0x80, v8, vm0, $0xb8;
	[tilespmem:$0xA680] =	vst v63  }
0x92: {  	_ =	swait.ge [sflag:s18], $0x4000  }
0x93: {  	[sflag:s18] =	ssyncset.done $0x0  }
0x94: {  	[sflag:s18] =	ssyncadd.s32 $0xFFFFC000  }
0x95: {  	v8 =	vld [tilespmem:$0x6580];
	_ =	sdelay $0x4  }
0x96: {  	v60 =	vshll.u32 v8, $0x1  }
0x97: {  	v8 =	vand.u32 $0x7, v8;
	v9 =	vand.u32 $0xFFFFFFF0, v60  }
0x98: {  	v8 =	vor.u32 v8, v9  }
0x99: {  	v9 =	vperm.xlane v8, v5;
	_ =	sdelay $0x1  }
0x9a: {  	v8 =	vperm.xlane v8, v7;
	v9 =	vadd.s32 v6, v9;
	_ =	sdelay $0x1  }
0x9b: {  	v8 =	vadd.s32 v6, v8;
	_ =	sdelay $0x2  }
0x9c: {  	[hbm4b:s4+s7] =	stream.indirect_vreg.scatter [tilespmem:s10], [sflag:$0x2], $0x80, v9, vm0, $0xb8;
	[tilespmem:$0xA680] =	vst v63  }
0x9d: {  	_ = 	snop  }
0x9e: {  	[hbm4b:s4+s7] =	stream.indirect_vreg.scatter [tilespmem:s11], [sflag:$0x2], $0x80, v8, vm0, $0xb8;
	[tilespmem:$0xA680] =	vst v63  }
0x9f: {  	v8 =	vld [tilespmem:$0x6590];
	_ =	sdelay $0x4  }
0xa0: {  	v61 =	vshll.u32 v8, $0x1  }
0xa1: {  	v8 =	vand.u32 $0x7, v8;
	v9 =	vand.u32 $0xFFFFFFF0, v61  }
0xa2: {  	v8 =	vor.u32 v8, v9  }
0xa3: {  	v9 =	vperm.xlane v8, v5;
	_ =	sdelay $0x1  }
0xa4: {  	v8 =	vperm.xlane v8, v7;
	v9 =	vadd.s32 v6, v9;
	_ =	sdelay $0x1  }
0xa5: {  	v8 =	vadd.s32 v6, v8;
	_ =	sdelay $0x2  }
0xa6: {  	[hbm4b:s4+s7] =	stream.indirect_vreg.scatter [tilespmem:s12], [sflag:$0x2], $0x80, v9, vm0, $0xb8;
	[tilespmem:$0xA680] =	vst v63  }
0xa7: {  	_ = 	snop  }
0xa8: {  	[hbm4b:s4+s7] =	stream.indirect_vreg.scatter [tilespmem:s13], [sflag:$0x2], $0x80, v8, vm0, $0xb8;
	[tilespmem:$0xA680] =	vst v63  }
0xa9: {  	v8 =	vld [tilespmem:$0x65A0];
	_ =	sdelay $0x4  }
0xaa: {  	v62 =	vshll.u32 v8, $0x1  }
0xab: {  	v8 =	vand.u32 $0x7, v8;
	v9 =	vand.u32 $0xFFFFFFF0, v62  }
0xac: {  	v8 =	vor.u32 v8, v9  }
0xad: {  	v9 =	vperm.xlane v8, v5;
	_ =	sdelay $0x1  }
0xae: {  	v8 =	vperm.xlane v8, v7;
	v9 =	vadd.s32 v6, v9;
	_ =	sdelay $0x1  }
0xaf: {  	v8 =	vadd.s32 v6, v8;
	_ =	sdelay $0x2  }
0xb0: {  	[hbm4b:s4+s7] =	stream.indirect_vreg.scatter [tilespmem:s14], [sflag:$0x2], $0x80, v9, vm0, $0xb8;
	[tilespmem:$0xA680] =	vst v63  }
0xb1: {  	_ = 	snop  }
0xb2: {  	[hbm4b:s4+s7] =	stream.indirect_vreg.scatter [tilespmem:s15], [sflag:$0x2], $0x80, v8, vm0, $0xb8;
	[tilespmem:$0xA680] =	vst v63  }
0xb3: {  	v8 =	vld [tilespmem:$0x65B0];
	_ =	sdelay $0x4  }
0xb4: {  	v63 =	vshll.u32 v8, $0x1  }
0xb5: {  	v8 =	vand.u32 $0x7, v8;
	v9 =	vand.u32 $0xFFFFFFF0, v63  }
0xb6: {  	v8 =	vor.u32 v8, v9  }
0xb7: {  	v9 =	vperm.xlane v8, v5;
	_ =	sdelay $0x1  }
0xb8: {  	v8 =	vperm.xlane v8, v7;
	v9 =	vadd.s32 v6, v9;
	_ =	sdelay $0x1  }
0xb9: {  	v8 =	vadd.s32 v6, v8;
	_ =	sdelay $0x1  }
0xba: {  	p0 =	sne.s32 s21, $0x1  }
0xbb: {  	[hbm4b:s4+s7] =	stream.indirect_vreg.scatter [tilespmem:s16], [sflag:$0x2], $0x80, v9, vm0, $0xb8;
	[tilespmem:$0xA680] =	vst v63  }
.Ltmp6:
0xbc: {  	_ = 	snop;
	(pc) =	sbr.rel @p0 .LBB2_9-.Ltmp6, $4  }
0xbd: {  	[hbm4b:s4+s7] =	stream.indirect_vreg.scatter [tilespmem:s17], [sflag:$0x2], $0x80, v8, vm0, $0xb8;
	[tilespmem:$0xA680] =	vst v63  }
0xbe: {  	_ =	swait.ge [sflag:s19], $0x4000  }
0xbf: {  	s21 =	sadd.s32 $0xFFFFFFFF, s21;
	[sflag:s19] =	ssyncset.done $0x0  }
0xc0: {  	s22 =	sadd.s32 $0x40, s22;
	s23 =	sadd.s32 $0x40, s23;
	[sflag:s19] =	ssyncadd.s32 $0xFFFFC000  }
.Ltmp7:
0xc1: {  	_ = 	snop;
	(pc) =	sbr.rel .LBB2_10-.Ltmp7, $1  }
0xc2: {  	_ =	sdelay $0x3  }
.LBB2_11:
0xc3: {  	_ =	sfence.sel $0x180000  }
0xc4: {  	[bflag:$0x0] =	sbarrier.arrive $0xFFFF  }
0xc5: {  	p0 =	sne.s32 s0, $0x0;
	_ =	strace $0x90000047  }
0xc6: {  	s0 =	sadd.s32 @!p0 $0x100000, s2;
	[bflag:$0x2] =	sbarrier.arrive $0xFFFF  }
0xc7: {  	[sflag:s0] =	ssyncadd.tile.s32 @!p0 $0x1;
	_ =	shalt  }
.Lfunc_end2:
_tile_overlayer_lowered:
.L_overlay_start_2:
0xc8: {  	(tag) =	ssettag $0x2  }
0xc9: {  	s0 =	rddreg [dreg:$0x0];
	s2 =	stileid.u32  }
0xca: {  	s1 =	rddreg [dreg:$0x1];
	p0 =	sne.s32 s2, $0x0  }
0xcb: {  	s3 =	rddreg [dreg:$0x2];
	[bflag:$0x3] =	sbarrier.arrive $0xFFFF;
	s2 =	simm.s32 @!p0 $0x1C03  }
0xcc: {  	[timem:s3], [sflag:s2] =	dma.local @!p0 [hbm:s0], s1  }
0xcd: {  	s0 =	simm.s32 @!p0 $0x3  }
0xce: {  	_ =	swait.ge @!p0 [sflag:s0], s1  }
0xcf: {  	s1 =	ssub.s32 @!p0 $0x0, s1;
	[sflag:s0] =	ssyncset.done @!p0 $0x0  }
0xd0: {  	[sflag:s0] =	ssyncadd.s32 @!p0 s1  }
0xd1: {  	[bflag:$0x3] =	sbarrier.arrive $0xFFFF  }
0xd2: {  	_ =	shalt  }

</sc_bundles>
